<compile_context>
chip_gen: v7x
topology: tpu7x:2x2x1
jax: 0.10.2.dev20260603
libtpu: 0.0.44.dev20260713+nightly
codegen_flags: <defaults>
</compile_context>

<pallas_src>
import functools

import jax
import jax.numpy as jnp
from jax import lax
from jax.experimental import pallas as pl
from jax.experimental.pallas import tpu as pltpu
from jax.experimental.pallas import tpu_sc as plsc

_NUM_MODES = 64
_BATCH = 16384
_COLS = 512

_KS = (0, 42, 0x1BD11BDA ^ 42)
_ROT = ((13, 15, 26, 6), (17, 29, 16, 24))

_NC, _NS, _L = 2, 16, 16
_NW = _NC * _NS
_BPW = _BATCH // _NW


def _threefry_bits(p):
    ks = tuple(jnp.uint32(k) for k in _KS)
    x0 = jnp.zeros_like(p) + ks[0]
    x1 = p + ks[1]
    for i in range(5):
        for r in _ROT[i % 2]:
            x0 = x0 + x1
            x1 = (x1 << jnp.uint32(r)) | (x1 >> jnp.uint32(32 - r))
            x1 = x0 ^ x1
        x0 = x0 + ks[(i + 1) % 3]
        x1 = x1 + ks[(i + 2) % 3] + jnp.uint32(i + 1)
    return x0 ^ x1


def _sample_body(zt_ref, w_ref, idx_ref):
    shp = (_NUM_MODES, _COLS)
    base = (pl.program_id(0) * _COLS).astype(jnp.uint32)
    lane = lax.broadcasted_iota(jnp.uint32, shp, 1) + base
    mode = lax.broadcasted_iota(jnp.uint32, shp, 0)
    p = lane * jnp.uint32(_NUM_MODES) + mode

    bits = _threefry_bits(p)
    fb = (bits >> jnp.uint32(9)) | jnp.uint32(0x3F800000)
    u = lax.bitcast_convert_type(fb, jnp.float32) - jnp.float32(1.0)
    tiny = jnp.float32(jnp.finfo(jnp.float32).tiny)
    unif = jnp.maximum(tiny, u * (jnp.float32(1.0) - tiny) + tiny)
    g = -jnp.log(-jnp.log(unif))

    def _b(x):
        return x.astype(jnp.bfloat16).astype(jnp.float32)

    logits = (_b(zt_ref[0:1, :]) * _b(w_ref[:, 0:1])
              + _b(zt_ref[1:2, :]) * _b(w_ref[:, 1:2]))
    val = g + logits

    m = jnp.max(val, axis=0, keepdims=True)
    modei = lax.broadcasted_iota(jnp.int32, shp, 0)
    cand = jnp.where(val == m, modei, jnp.int32(_NUM_MODES))
    idx_ref[...] = jnp.min(cand, axis=0, keepdims=True)


_SC_MESH = plsc.VectorSubcoreMesh(core_axis_name="c", subcore_axis_name="s")


@functools.partial(
    pl.kernel,
    mesh=_SC_MESH,
    out_type=jax.ShapeDtypeStruct((_BATCH, 2), jnp.float32),
    scratch_types=[
        pltpu.VMEM((_BPW,), jnp.int32),
        pltpu.VMEM((_NUM_MODES, 2), jnp.float32),
        pltpu.VMEM((_BPW, 2), jnp.float32),
    ],
    compiler_params=pltpu.CompilerParams(needs_layout_passes=False),
)
def _gather_sc(idx_hbm, tab_hbm, out_hbm, idx_v, tab_v, out_v):
    wid = lax.axis_index("s") * _NC + lax.axis_index("c")
    base = wid * _BPW
    pltpu.sync_copy(idx_hbm.at[0, pl.ds(base, _BPW)], idx_v)
    pltpu.sync_copy(tab_hbm, tab_v)

    def body(j, carry):
        iv = idx_v[pl.ds(j * _L, _L)]
        jr = lax.iota(jnp.int32, _L) + j * _L
        c0 = jnp.zeros((_L,), jnp.int32)
        c1 = c0 + 1
        v0 = plsc.load_gather(tab_v, [iv, c0])
        v1 = plsc.load_gather(tab_v, [iv, c1])
        plsc.store_scatter(out_v, [jr, c0], v0)
        plsc.store_scatter(out_v, [jr, c1], v1)
        return carry

    lax.fori_loop(0, _BPW // _L, body, 0)
    pltpu.sync_copy(out_v, out_hbm.at[pl.ds(base, _BPW), :])


@jax.jit
def _run(z2_onehot, W, embedding_table):
    zt = z2_onehot.T
    grid = (_BATCH // _COLS,)
    idx = pl.pallas_call(
        _sample_body,
        grid=grid,
        in_specs=[
            pl.BlockSpec((2, _COLS), lambda i: (0, i)),
            pl.BlockSpec((_NUM_MODES, 2), lambda i: (0, 0)),
        ],
        out_specs=pl.BlockSpec((1, _COLS), lambda i: (0, i)),
        out_shape=jax.ShapeDtypeStruct((1, _BATCH), jnp.int32),
    )(zt, W)
    return _gather_sc(idx, embedding_table)


def kernel(z2_onehot, W, embedding_table):
    return _run(z2_onehot, W, embedding_table)

# --- scband reference (transcript-rebuilt; emitter-appended) ---
"""Pipeline reference for scband-categorical-prior-73675868996460 (READ-ONLY COPY).

The authoritative reference and input builder live on the scoring server;
editing this copy changes nothing except your own understanding.
"""

import jax, jax.numpy as jnp
import numpy as np

NUM_MODES = 64
COND_DIM = 2
BATCH = 16384


def setup_inputs(seed: int = 0) -> dict:
    key = jax.random.key(seed)
    k1, k2 = jax.random.split(key)
    z2_onehot = jax.random.uniform(k1, (BATCH, COND_DIM), dtype=jnp.float32)
    # logits_table: nn.Linear(condition_dim, num_modes, bias=False) -> weight (num_modes, cond_dim)
    W = jax.random.normal(k2, (NUM_MODES, COND_DIM), dtype=jnp.float32) * 0.1
    # embedding_table built from z1_embeddings dict: row i = [0.1*i, -0.1*i]
    embedding_table = (jnp.arange(NUM_MODES, dtype=jnp.float32)[:, None]
                       * jnp.array([0.1, -0.1], dtype=jnp.float32))
    return {"z2_onehot": z2_onehot, "W": W, "embedding_table": embedding_table}


def reference(z2_onehot, W, embedding_table):
    # logits = Linear(z2_onehot) = z2_onehot @ W.T
    logits = z2_onehot @ W.T  # (B, num_modes)
    # torch.multinomial(softmax(logits), 1) == categorical sampling from logits
    sample_key = jax.random.key(42)
    z1_indices = jax.random.categorical(sample_key, logits, axis=-1)  # (B,)
    # embedding lookup (SparseCore gather)
    z1_embeddings = jnp.take(embedding_table, z1_indices, axis=0)  # (B, 2)
    return z1_embeddings

if __name__ == "__main__":
    import jax
    _d = setup_inputs()
    print(jax.jit(kernel)(*tuple(_d.values())))

</pallas_src>

<mosaic_0001>
#map = affine_map<(d0, d1) -> (0, 0)>
module attributes {stable_mosaic.version = 14 : i64} {
  func.func @_gather_sc(%arg0: i32, %arg1: i32, %arg2: memref<1x16384xi32, #tpu.memory_space<hbm>>, %arg3: memref<64x2xf32, #tpu.memory_space<hbm>>, %arg4: memref<16384x2xf32, #tpu.memory_space<hbm>>, %arg5: memref<512xi32, #tpu.memory_space<vmem>>, %arg6: memref<64x2xf32, #tpu.memory_space<vmem>>, %arg7: memref<512x2xf32, #tpu.memory_space<vmem>>) attributes {dimension_semantics = [#tpu.dimension_semantics<core_parallel>, #tpu.dimension_semantics<subcore_parallel>], iteration_bounds = array<i64: 2, 16>, scalar_prefetch = 0 : i64, scratch_operands = 3 : i64, tpu.core_type = #tpu.core_type<sc_vector_subcore>, window_params = [{transform_indices = #map}, {transform_indices = #map}, {transform_indices = #map}]} {
    %mul3A = arith.constant 2 : i32
    %mul3A_0 = arith.muli %arg1, %mul3A : i32
    %add3A = arith.addi %mul3A_0, %arg0 : i32
    %mul3A_1 = arith.constant 512 : i32
    %mul3A_2 = arith.muli %add3A, %mul3A_1 : i32
    %run_scoped3A = arith.constant 0 : i32
    "tpu.region"() ({
      %run_scoped3A_8 = tpu.sem_alloc : memref<!tpu.dma_semaphore, #tpu.memory_space<semaphore_mem>>
      %dma_start3A = tpu.memref_slice %arg2[%run_scoped3A, %mul3A_2] : memref<1x16384xi32, #tpu.memory_space<hbm>> -> memref<1x512xi32, #tpu.memory_space<hbm>>
      %dma_start3A_9 = tpu.memref_squeeze %dma_start3A : memref<1x512xi32, #tpu.memory_space<hbm>> -> memref<512xi32, #tpu.memory_space<hbm>>
      %dma_start3A_10 = tpu.memref_slice %arg2[%run_scoped3A, %mul3A_2] : memref<1x16384xi32, #tpu.memory_space<hbm>> -> memref<1x512xi32, #tpu.memory_space<hbm>>
      %dma_start3A_11 = tpu.memref_squeeze %dma_start3A_10 : memref<1x512xi32, #tpu.memory_space<hbm>> -> memref<512xi32, #tpu.memory_space<hbm>>
      tpu.enqueue_dma source(%dma_start3A_11 : memref<512xi32, #tpu.memory_space<hbm>>) target(%arg5 : memref<512xi32, #tpu.memory_space<vmem>>) target_semaphore(%run_scoped3A_8 : memref<!tpu.dma_semaphore, #tpu.memory_space<semaphore_mem>>)
      %dma_wait3A = tpu.memref_slice %arg2[%run_scoped3A, %mul3A_2] : memref<1x16384xi32, #tpu.memory_space<hbm>> -> memref<1x512xi32, #tpu.memory_space<hbm>>
      %dma_wait3A_12 = tpu.memref_squeeze %dma_wait3A : memref<1x512xi32, #tpu.memory_space<hbm>> -> memref<512xi32, #tpu.memory_space<hbm>>
      %dma_wait3A_13 = tpu.memref_slice %arg2[%run_scoped3A, %mul3A_2] : memref<1x16384xi32, #tpu.memory_space<hbm>> -> memref<1x512xi32, #tpu.memory_space<hbm>>
      %dma_wait3A_14 = tpu.memref_squeeze %dma_wait3A_13 : memref<1x512xi32, #tpu.memory_space<hbm>> -> memref<512xi32, #tpu.memory_space<hbm>>
      tpu.wait_dma2 semaphore(%run_scoped3A_8 : memref<!tpu.dma_semaphore, #tpu.memory_space<semaphore_mem>>) src(%dma_wait3A_14 : memref<512xi32, #tpu.memory_space<hbm>>) dst(%arg5 : memref<512xi32, #tpu.memory_space<vmem>>)
      tpu.yield
    }) : () -> ()
    "tpu.region"() ({
      %run_scoped3A_8 = tpu.sem_alloc : memref<!tpu.dma_semaphore, #tpu.memory_space<semaphore_mem>>
      tpu.enqueue_dma source(%arg3 : memref<64x2xf32, #tpu.memory_space<hbm>>) target(%arg6 : memref<64x2xf32, #tpu.memory_space<vmem>>) target_semaphore(%run_scoped3A_8 : memref<!tpu.dma_semaphore, #tpu.memory_space<semaphore_mem>>)
      tpu.wait_dma2 semaphore(%run_scoped3A_8 : memref<!tpu.dma_semaphore, #tpu.memory_space<semaphore_mem>>) src(%arg3 : memref<64x2xf32, #tpu.memory_space<hbm>>) dst(%arg6 : memref<64x2xf32, #tpu.memory_space<vmem>>)
      tpu.yield
    }) : () -> ()
    %scan3A = arith.constant 0 : i32
    %scan3A_3 = arith.constant 0 : i32
    %scan3A_4 = arith.constant 32 : i32
    %scan3A_5 = arith.addi %scan3A_3, %scan3A_4 : i32
    %scan3A_6 = arith.constant 1 : i32
    scf.for %scan3A_8 = %scan3A_3 to %scan3A_5 step %scan3A_6  : i32 {
      %mul3A_9 = arith.constant 16 : i32
      %mul3A_10 = arith.muli %scan3A_8, %mul3A_9 : i32
      %get3A = arith.index_cast %mul3A_10 : i32 to index
      %get3A_11 = tpu.vector_load %arg5[%get3A] {strides = array<i32>} : memref<512xi32, #tpu.memory_space<vmem>>, vector<16xi32>,
      %iota3A = tpu.iota {dimensions = array<i32: 0>} : vector<16xi32>
      %mul3A_12 = arith.constant 16 : i32
      %mul3A_13 = arith.muli %scan3A_8, %mul3A_12 : i32
      %add3A_14 = vector.broadcast %mul3A_13 : i32 to vector<16xi32>
      %add3A_15 = arith.addi %iota3A, %add3A_14 : vector<16xi32>
      %broadcast_in_dim3A = arith.constant 0 : i32
      %broadcast_in_dim3A_16 = vector.broadcast %broadcast_in_dim3A : i32 to vector<16xi32>
      %add3A_17 = arith.constant 1 : i32
      %add3A_18 = vector.broadcast %add3A_17 : i32 to vector<16xi32>
      %add3A_19 = arith.addi %broadcast_in_dim3A_16, %add3A_18 : vector<16xi32>
      %gather3A = tpu.vector_load_idx %arg6[%get3A_11, %broadcast_in_dim3A_16] : memref<64x2xf32, #tpu.memory_space<vmem>>[vector<16xi32>, vector<16xi32>], vector<16xf32>,
      %gather3A_20 = tpu.vector_load_idx %arg6[%get3A_11, %add3A_19] : memref<64x2xf32, #tpu.memory_space<vmem>>[vector<16xi32>, vector<16xi32>], vector<16xf32>,
      tpu.vector_store_idx %arg7[%add3A_15, %broadcast_in_dim3A_16], %gather3A : memref<512x2xf32, #tpu.memory_space<vmem>>[vector<16xi32>, vector<16xi32>], vector<16xf32>,
      tpu.vector_store_idx %arg7[%add3A_15, %add3A_19], %gather3A_20 : memref<512x2xf32, #tpu.memory_space<vmem>>[vector<16xi32>, vector<16xi32>], vector<16xf32>,
    }
    %scan3A_7 = arith.constant 32 : i32
    "tpu.region"() ({
      %run_scoped3A_8 = tpu.sem_alloc : memref<!tpu.dma_semaphore, #tpu.memory_space<semaphore_mem>>
      %dma_start3A = arith.constant 0 : i32
      %dma_start3A_9 = tpu.memref_slice %arg4[%mul3A_2, %dma_start3A] : memref<16384x2xf32, #tpu.memory_space<hbm>> -> memref<512x2xf32, #tpu.memory_space<hbm>>
      %dma_start3A_10 = arith.constant 0 : i32
      %dma_start3A_11 = tpu.memref_slice %arg4[%mul3A_2, %dma_start3A_10] : memref<16384x2xf32, #tpu.memory_space<hbm>> -> memref<512x2xf32, #tpu.memory_space<hbm>>
      tpu.enqueue_dma source(%arg7 : memref<512x2xf32, #tpu.memory_space<vmem>>) target(%dma_start3A_11 : memref<512x2xf32, #tpu.memory_space<hbm>>) target_semaphore(%run_scoped3A_8 : memref<!tpu.dma_semaphore, #tpu.memory_space<semaphore_mem>>)
      %dma_wait3A = arith.constant 0 : i32
      %dma_wait3A_12 = tpu.memref_slice %arg4[%mul3A_2, %dma_wait3A] : memref<16384x2xf32, #tpu.memory_space<hbm>> -> memref<512x2xf32, #tpu.memory_space<hbm>>
      %dma_wait3A_13 = arith.constant 0 : i32
      %dma_wait3A_14 = tpu.memref_slice %arg4[%mul3A_2, %dma_wait3A_13] : memref<16384x2xf32, #tpu.memory_space<hbm>> -> memref<512x2xf32, #tpu.memory_space<hbm>>
      tpu.wait_dma2 semaphore(%run_scoped3A_8 : memref<!tpu.dma_semaphore, #tpu.memory_space<semaphore_mem>>) src(%arg7 : memref<512x2xf32, #tpu.memory_space<vmem>>) dst(%dma_wait3A_14 : memref<512x2xf32, #tpu.memory_space<hbm>>)
      tpu.yield
    }) : () -> ()
    return
  }
}

module attributes {stable_mosaic.version = 14 : i64} {
  func.func @_sample_body(%arg0: i32, %arg1: memref<2x512xf32, #tpu.memory_space<vmem>>, %arg2: memref<64x2xf32, #tpu.memory_space<vmem>>, %arg3: memref<1x512xi32, #tpu.memory_space<vmem>>) attributes {dimension_semantics = [#tpu.dimension_semantics<arbitrary>], iteration_bounds = array<i64: 32>, scalar_prefetch = 0 : i64, scratch_operands = 0 : i64, tpu.core_type = #tpu.core_type<tc>, window_params = [{transform_indices = @transform_0, window_bounds = array<i64: 2, 512>}, {pipeline_mode = #tpu.pipeline_mode<synchronous>, transform_indices = @transform_1, window_bounds = array<i64: 64, 2>}, {transform_indices = @transform_2, window_bounds = array<i64: 1, 512>}]} {
    %mul3A = arith.constant 512 : i32
    %mul3A_0 = arith.muli %arg0, %mul3A : i32
    %iota3A = tpu.iota {dimensions = array<i32: 1>} : vector<64x512xi32>
    %add3A = vector.broadcast %mul3A_0 : i32 to vector<64x512xi32>
    %add3A_1 = arith.addi %iota3A, %add3A : vector<64x512xi32>
    %iota3A_2 = tpu.iota {dimensions = array<i32: 0>} : vector<64x512xi32>
    %mul3A_3 = arith.constant 64 : i32
    %mul3A_4 = vector.broadcast %mul3A_3 : i32 to vector<64x512xi32>
    %mul3A_5 = arith.muli %add3A_1, %mul3A_4 : vector<64x512xi32>
    %add3A_6 = arith.addi %mul3A_5, %iota3A_2 : vector<64x512xi32>
    %broadcast_in_dim3A = arith.constant 0 : i32
    %broadcast_in_dim3A_7 = vector.broadcast %broadcast_in_dim3A : i32 to vector<64x512xi32>
    %add3A_8 = arith.constant 0 : i32
    %add3A_9 = vector.broadcast %add3A_8 : i32 to vector<64x512xi32>
    %add3A_10 = arith.addi %broadcast_in_dim3A_7, %add3A_9 : vector<64x512xi32>
    %add3A_11 = arith.constant 42 : i32
    %add3A_12 = vector.broadcast %add3A_11 : i32 to vector<64x512xi32>
    %add3A_13 = arith.addi %add3A_6, %add3A_12 : vector<64x512xi32>
    %add3A_14 = arith.addi %add3A_10, %add3A_13 : vector<64x512xi32>
    %shift_left3A = arith.constant 13 : i32
    %shift_left3A_15 = vector.broadcast %shift_left3A : i32 to vector<64x512xi32>
    %shift_left3A_16 = arith.shli %add3A_13, %shift_left3A_15 : vector<64x512xi32>
    %shift_right_logical3A = arith.constant 19 : i32
    %shift_right_logical3A_17 = vector.broadcast %shift_right_logical3A : i32 to vector<64x512xi32>
    %shift_right_logical3A_18 = arith.shrui %add3A_13, %shift_right_logical3A_17 : vector<64x512xi32>
    %or3A = arith.ori %shift_left3A_16, %shift_right_logical3A_18 : vector<64x512xi32>
    %xor3A = arith.xori %add3A_14, %or3A : vector<64x512xi32>
    %add3A_19 = arith.addi %add3A_14, %xor3A : vector<64x512xi32>
    %shift_left3A_20 = arith.constant 15 : i32
    %shift_left3A_21 = vector.broadcast %shift_left3A_20 : i32 to vector<64x512xi32>
    %shift_left3A_22 = arith.shli %xor3A, %shift_left3A_21 : vector<64x512xi32>
    %shift_right_logical3A_23 = arith.constant 17 : i32
    %shift_right_logical3A_24 = vector.broadcast %shift_right_logical3A_23 : i32 to vector<64x512xi32>
    %shift_right_logical3A_25 = arith.shrui %xor3A, %shift_right_logical3A_24 : vector<64x512xi32>
    %or3A_26 = arith.ori %shift_left3A_22, %shift_right_logical3A_25 : vector<64x512xi32>
    %xor3A_27 = arith.xori %add3A_19, %or3A_26 : vector<64x512xi32>
    %add3A_28 = arith.addi %add3A_19, %xor3A_27 : vector<64x512xi32>
    %shift_left3A_29 = arith.constant 26 : i32
    %shift_left3A_30 = vector.broadcast %shift_left3A_29 : i32 to vector<64x512xi32>
    %shift_left3A_31 = arith.shli %xor3A_27, %shift_left3A_30 : vector<64x512xi32>
    %shift_right_logical3A_32 = arith.constant 6 : i32
    %shift_right_logical3A_33 = vector.broadcast %shift_right_logical3A_32 : i32 to vector<64x512xi32>
    %shift_right_logical3A_34 = arith.shrui %xor3A_27, %shift_right_logical3A_33 : vector<64x512xi32>
    %or3A_35 = arith.ori %shift_left3A_31, %shift_right_logical3A_34 : vector<64x512xi32>
    %xor3A_36 = arith.xori %add3A_28, %or3A_35 : vector<64x512xi32>
    %add3A_37 = arith.addi %add3A_28, %xor3A_36 : vector<64x512xi32>
    %shift_left3A_38 = arith.constant 6 : i32
    %shift_left3A_39 = vector.broadcast %shift_left3A_38 : i32 to vector<64x512xi32>
    %shift_left3A_40 = arith.shli %xor3A_36, %shift_left3A_39 : vector<64x512xi32>
    %shift_right_logical3A_41 = arith.constant 26 : i32
    %shift_right_logical3A_42 = vector.broadcast %shift_right_logical3A_41 : i32 to vector<64x512xi32>
    %shift_right_logical3A_43 = arith.shrui %xor3A_36, %shift_right_logical3A_42 : vector<64x512xi32>
    %or3A_44 = arith.ori %shift_left3A_40, %shift_right_logical3A_43 : vector<64x512xi32>
    %xor3A_45 = arith.xori %add3A_37, %or3A_44 : vector<64x512xi32>
    %add3A_46 = arith.constant 42 : i32
    %add3A_47 = vector.broadcast %add3A_46 : i32 to vector<64x512xi32>
    %add3A_48 = arith.addi %add3A_37, %add3A_47 : vector<64x512xi32>
    %add3A_49 = arith.constant 466689008 : i32
    %add3A_50 = vector.broadcast %add3A_49 : i32 to vector<64x512xi32>
    %add3A_51 = arith.addi %xor3A_45, %add3A_50 : vector<64x512xi32>
    %add3A_52 = arith.constant 1 : i32
    %add3A_53 = vector.broadcast %add3A_52 : i32 to vector<64x512xi32>
    %add3A_54 = arith.addi %add3A_51, %add3A_53 : vector<64x512xi32>
    %add3A_55 = arith.addi %add3A_48, %add3A_54 : vector<64x512xi32>
    %shift_left3A_56 = arith.constant 17 : i32
    %shift_left3A_57 = vector.broadcast %shift_left3A_56 : i32 to vector<64x512xi32>
    %shift_left3A_58 = arith.shli %add3A_54, %shift_left3A_57 : vector<64x512xi32>
    %shift_right_logical3A_59 = arith.constant 15 : i32
    %shift_right_logical3A_60 = vector.broadcast %shift_right_logical3A_59 : i32 to vector<64x512xi32>
    %shift_right_logical3A_61 = arith.shrui %add3A_54, %shift_right_logical3A_60 : vector<64x512xi32>
    %or3A_62 = arith.ori %shift_left3A_58, %shift_right_logical3A_61 : vector<64x512xi32>
    %xor3A_63 = arith.xori %add3A_55, %or3A_62 : vector<64x512xi32>
    %add3A_64 = arith.addi %add3A_55, %xor3A_63 : vector<64x512xi32>
    %shift_left3A_65 = arith.constant 29 : i32
    %shift_left3A_66 = vector.broadcast %shift_left3A_65 : i32 to vector<64x512xi32>
    %shift_left3A_67 = arith.shli %xor3A_63, %shift_left3A_66 : vector<64x512xi32>
    %shift_right_logical3A_68 = arith.constant 3 : i32
    %shift_right_logical3A_69 = vector.broadcast %shift_right_logical3A_68 : i32 to vector<64x512xi32>
    %shift_right_logical3A_70 = arith.shrui %xor3A_63, %shift_right_logical3A_69 : vector<64x512xi32>
    %or3A_71 = arith.ori %shift_left3A_67, %shift_right_logical3A_70 : vector<64x512xi32>
    %xor3A_72 = arith.xori %add3A_64, %or3A_71 : vector<64x512xi32>
    %add3A_73 = arith.addi %add3A_64, %xor3A_72 : vector<64x512xi32>
    %shift_left3A_74 = arith.constant 16 : i32
    %shift_left3A_75 = vector.broadcast %shift_left3A_74 : i32 to vector<64x512xi32>
    %shift_left3A_76 = arith.shli %xor3A_72, %shift_left3A_75 : vector<64x512xi32>
    %shift_right_logical3A_77 = arith.constant 16 : i32
    %shift_right_logical3A_78 = vector.broadcast %shift_right_logical3A_77 : i32 to vector<64x512xi32>
    %shift_right_logical3A_79 = arith.shrui %xor3A_72, %shift_right_logical3A_78 : vector<64x512xi32>
    %or3A_80 = arith.ori %shift_left3A_76, %shift_right_logical3A_79 : vector<64x512xi32>
    %xor3A_81 = arith.xori %add3A_73, %or3A_80 : vector<64x512xi32>
    %add3A_82 = arith.addi %add3A_73, %xor3A_81 : vector<64x512xi32>
    %shift_left3A_83 = arith.constant 24 : i32
    %shift_left3A_84 = vector.broadcast %shift_left3A_83 : i32 to vector<64x512xi32>
    %shift_left3A_85 = arith.shli %xor3A_81, %shift_left3A_84 : vector<64x512xi32>
    %shift_right_logical3A_86 = arith.constant 8 : i32
    %shift_right_logical3A_87 = vector.broadcast %shift_right_logical3A_86 : i32 to vector<64x512xi32>
    %shift_right_logical3A_88 = arith.shrui %xor3A_81, %shift_right_logical3A_87 : vector<64x512xi32>
    %or3A_89 = arith.ori %shift_left3A_85, %shift_right_logical3A_88 : vector<64x512xi32>
    %xor3A_90 = arith.xori %add3A_82, %or3A_89 : vector<64x512xi32>
    %add3A_91 = arith.constant 466689008 : i32
    %add3A_92 = vector.broadcast %add3A_91 : i32 to vector<64x512xi32>
    %add3A_93 = arith.addi %add3A_82, %add3A_92 : vector<64x512xi32>
    %add3A_94 = arith.constant 0 : i32
    %add3A_95 = vector.broadcast %add3A_94 : i32 to vector<64x512xi32>
    %add3A_96 = arith.addi %xor3A_90, %add3A_95 : vector<64x512xi32>
    %add3A_97 = arith.constant 2 : i32
    %add3A_98 = vector.broadcast %add3A_97 : i32 to vector<64x512xi32>
    %add3A_99 = arith.addi %add3A_96, %add3A_98 : vector<64x512xi32>
    %add3A_100 = arith.addi %add3A_93, %add3A_99 : vector<64x512xi32>
    %shift_left3A_101 = arith.constant 13 : i32
    %shift_left3A_102 = vector.broadcast %shift_left3A_101 : i32 to vector<64x512xi32>
    %shift_left3A_103 = arith.shli %add3A_99, %shift_left3A_102 : vector<64x512xi32>
    %shift_right_logical3A_104 = arith.constant 19 : i32
    %shift_right_logical3A_105 = vector.broadcast %shift_right_logical3A_104 : i32 to vector<64x512xi32>
    %shift_right_logical3A_106 = arith.shrui %add3A_99, %shift_right_logical3A_105 : vector<64x512xi32>
    %or3A_107 = arith.ori %shift_left3A_103, %shift_right_logical3A_106 : vector<64x512xi32>
    %xor3A_108 = arith.xori %add3A_100, %or3A_107 : vector<64x512xi32>
    %add3A_109 = arith.addi %add3A_100, %xor3A_108 : vector<64x512xi32>
    %shift_left3A_110 = arith.constant 15 : i32
    %shift_left3A_111 = vector.broadcast %shift_left3A_110 : i32 to vector<64x512xi32>
    %shift_left3A_112 = arith.shli %xor3A_108, %shift_left3A_111 : vector<64x512xi32>
    %shift_right_logical3A_113 = arith.constant 17 : i32
    %shift_right_logical3A_114 = vector.broadcast %shift_right_logical3A_113 : i32 to vector<64x512xi32>
    %shift_right_logical3A_115 = arith.shrui %xor3A_108, %shift_right_logical3A_114 : vector<64x512xi32>
    %or3A_116 = arith.ori %shift_left3A_112, %shift_right_logical3A_115 : vector<64x512xi32>
    %xor3A_117 = arith.xori %add3A_109, %or3A_116 : vector<64x512xi32>
    %add3A_118 = arith.addi %add3A_109, %xor3A_117 : vector<64x512xi32>
    %shift_left3A_119 = arith.constant 26 : i32
    %shift_left3A_120 = vector.broadcast %shift_left3A_119 : i32 to vector<64x512xi32>
    %shift_left3A_121 = arith.shli %xor3A_117, %shift_left3A_120 : vector<64x512xi32>
    %shift_right_logical3A_122 = arith.constant 6 : i32
    %shift_right_logical3A_123 = vector.broadcast %shift_right_logical3A_122 : i32 to vector<64x512xi32>
    %shift_right_logical3A_124 = arith.shrui %xor3A_117, %shift_right_logical3A_123 : vector<64x512xi32>
    %or3A_125 = arith.ori %shift_left3A_121, %shift_right_logical3A_124 : vector<64x512xi32>
    %xor3A_126 = arith.xori %add3A_118, %or3A_125 : vector<64x512xi32>
    %add3A_127 = arith.addi %add3A_118, %xor3A_126 : vector<64x512xi32>
    %shift_left3A_128 = arith.constant 6 : i32
    %shift_left3A_129 = vector.broadcast %shift_left3A_128 : i32 to vector<64x512xi32>
    %shift_left3A_130 = arith.shli %xor3A_126, %shift_left3A_129 : vector<64x512xi32>
    %shift_right_logical3A_131 = arith.constant 26 : i32
    %shift_right_logical3A_132 = vector.broadcast %shift_right_logical3A_131 : i32 to vector<64x512xi32>
    %shift_right_logical3A_133 = arith.shrui %xor3A_126, %shift_right_logical3A_132 : vector<64x512xi32>
    %or3A_134 = arith.ori %shift_left3A_130, %shift_right_logical3A_133 : vector<64x512xi32>
    %xor3A_135 = arith.xori %add3A_127, %or3A_134 : vector<64x512xi32>
    %add3A_136 = arith.constant 0 : i32
    %add3A_137 = vector.broadcast %add3A_136 : i32 to vector<64x512xi32>
    %add3A_138 = arith.addi %add3A_127, %add3A_137 : vector<64x512xi32>
    %add3A_139 = arith.constant 42 : i32
    %add3A_140 = vector.broadcast %add3A_139 : i32 to vector<64x512xi32>
    %add3A_141 = arith.addi %xor3A_135, %add3A_140 : vector<64x512xi32>
    %add3A_142 = arith.constant 3 : i32
    %add3A_143 = vector.broadcast %add3A_142 : i32 to vector<64x512xi32>
    %add3A_144 = arith.addi %add3A_141, %add3A_143 : vector<64x512xi32>
    %add3A_145 = arith.addi %add3A_138, %add3A_144 : vector<64x512xi32>
    %shift_left3A_146 = arith.constant 17 : i32
    %shift_left3A_147 = vector.broadcast %shift_left3A_146 : i32 to vector<64x512xi32>
    %shift_left3A_148 = arith.shli %add3A_144, %shift_left3A_147 : vector<64x512xi32>
    %shift_right_logical3A_149 = arith.constant 15 : i32
    %shift_right_logical3A_150 = vector.broadcast %shift_right_logical3A_149 : i32 to vector<64x512xi32>
    %shift_right_logical3A_151 = arith.shrui %add3A_144, %shift_right_logical3A_150 : vector<64x512xi32>
    %or3A_152 = arith.ori %shift_left3A_148, %shift_right_logical3A_151 : vector<64x512xi32>
    %xor3A_153 = arith.xori %add3A_145, %or3A_152 : vector<64x512xi32>
    %add3A_154 = arith.addi %add3A_145, %xor3A_153 : vector<64x512xi32>
    %shift_left3A_155 = arith.constant 29 : i32
    %shift_left3A_156 = vector.broadcast %shift_left3A_155 : i32 to vector<64x512xi32>
    %shift_left3A_157 = arith.shli %xor3A_153, %shift_left3A_156 : vector<64x512xi32>
    %shift_right_logical3A_158 = arith.constant 3 : i32
    %shift_right_logical3A_159 = vector.broadcast %shift_right_logical3A_158 : i32 to vector<64x512xi32>
    %shift_right_logical3A_160 = arith.shrui %xor3A_153, %shift_right_logical3A_159 : vector<64x512xi32>
    %or3A_161 = arith.ori %shift_left3A_157, %shift_right_logical3A_160 : vector<64x512xi32>
    %xor3A_162 = arith.xori %add3A_154, %or3A_161 : vector<64x512xi32>
    %add3A_163 = arith.addi %add3A_154, %xor3A_162 : vector<64x512xi32>
    %shift_left3A_164 = arith.constant 16 : i32
    %shift_left3A_165 = vector.broadcast %shift_left3A_164 : i32 to vector<64x512xi32>
    %shift_left3A_166 = arith.shli %xor3A_162, %shift_left3A_165 : vector<64x512xi32>
    %shift_right_logical3A_167 = arith.constant 16 : i32
    %shift_right_logical3A_168 = vector.broadcast %shift_right_logical3A_167 : i32 to vector<64x512xi32>
    %shift_right_logical3A_169 = arith.shrui %xor3A_162, %shift_right_logical3A_168 : vector<64x512xi32>
    %or3A_170 = arith.ori %shift_left3A_166, %shift_right_logical3A_169 : vector<64x512xi32>
    %xor3A_171 = arith.xori %add3A_163, %or3A_170 : vector<64x512xi32>
    %add3A_172 = arith.addi %add3A_163, %xor3A_171 : vector<64x512xi32>
    %shift_left3A_173 = arith.constant 24 : i32
    %shift_left3A_174 = vector.broadcast %shift_left3A_173 : i32 to vector<64x512xi32>
    %shift_left3A_175 = arith.shli %xor3A_171, %shift_left3A_174 : vector<64x512xi32>
    %shift_right_logical3A_176 = arith.constant 8 : i32
    %shift_right_logical3A_177 = vector.broadcast %shift_right_logical3A_176 : i32 to vector<64x512xi32>
    %shift_right_logical3A_178 = arith.shrui %xor3A_171, %shift_right_logical3A_177 : vector<64x512xi32>
    %or3A_179 = arith.ori %shift_left3A_175, %shift_right_logical3A_178 : vector<64x512xi32>
    %xor3A_180 = arith.xori %add3A_172, %or3A_179 : vector<64x512xi32>
    %add3A_181 = arith.constant 42 : i32
    %add3A_182 = vector.broadcast %add3A_181 : i32 to vector<64x512xi32>
    %add3A_183 = arith.addi %add3A_172, %add3A_182 : vector<64x512xi32>
    %add3A_184 = arith.constant 466689008 : i32
    %add3A_185 = vector.broadcast %add3A_184 : i32 to vector<64x512xi32>
    %add3A_186 = arith.addi %xor3A_180, %add3A_185 : vector<64x512xi32>
    %add3A_187 = arith.constant 4 : i32
    %add3A_188 = vector.broadcast %add3A_187 : i32 to vector<64x512xi32>
    %add3A_189 = arith.addi %add3A_186, %add3A_188 : vector<64x512xi32>
    %add3A_190 = arith.addi %add3A_183, %add3A_189 : vector<64x512xi32>
    %shift_left3A_191 = arith.constant 13 : i32
    %shift_left3A_192 = vector.broadcast %shift_left3A_191 : i32 to vector<64x512xi32>
    %shift_left3A_193 = arith.shli %add3A_189, %shift_left3A_192 : vector<64x512xi32>
    %shift_right_logical3A_194 = arith.constant 19 : i32
    %shift_right_logical3A_195 = vector.broadcast %shift_right_logical3A_194 : i32 to vector<64x512xi32>
    %shift_right_logical3A_196 = arith.shrui %add3A_189, %shift_right_logical3A_195 : vector<64x512xi32>
    %or3A_197 = arith.ori %shift_left3A_193, %shift_right_logical3A_196 : vector<64x512xi32>
    %xor3A_198 = arith.xori %add3A_190, %or3A_197 : vector<64x512xi32>
    %add3A_199 = arith.addi %add3A_190, %xor3A_198 : vector<64x512xi32>
    %shift_left3A_200 = arith.constant 15 : i32
    %shift_left3A_201 = vector.broadcast %shift_left3A_200 : i32 to vector<64x512xi32>
    %shift_left3A_202 = arith.shli %xor3A_198, %shift_left3A_201 : vector<64x512xi32>
    %shift_right_logical3A_203 = arith.constant 17 : i32
    %shift_right_logical3A_204 = vector.broadcast %shift_right_logical3A_203 : i32 to vector<64x512xi32>
    %shift_right_logical3A_205 = arith.shrui %xor3A_198, %shift_right_logical3A_204 : vector<64x512xi32>
    %or3A_206 = arith.ori %shift_left3A_202, %shift_right_logical3A_205 : vector<64x512xi32>
    %xor3A_207 = arith.xori %add3A_199, %or3A_206 : vector<64x512xi32>
    %add3A_208 = arith.addi %add3A_199, %xor3A_207 : vector<64x512xi32>
    %shift_left3A_209 = arith.constant 26 : i32
    %shift_left3A_210 = vector.broadcast %shift_left3A_209 : i32 to vector<64x512xi32>
    %shift_left3A_211 = arith.shli %xor3A_207, %shift_left3A_210 : vector<64x512xi32>
    %shift_right_logical3A_212 = arith.constant 6 : i32
    %shift_right_logical3A_213 = vector.broadcast %shift_right_logical3A_212 : i32 to vector<64x512xi32>
    %shift_right_logical3A_214 = arith.shrui %xor3A_207, %shift_right_logical3A_213 : vector<64x512xi32>
    %or3A_215 = arith.ori %shift_left3A_211, %shift_right_logical3A_214 : vector<64x512xi32>
    %xor3A_216 = arith.xori %add3A_208, %or3A_215 : vector<64x512xi32>
    %add3A_217 = arith.addi %add3A_208, %xor3A_216 : vector<64x512xi32>
    %shift_left3A_218 = arith.constant 6 : i32
    %shift_left3A_219 = vector.broadcast %shift_left3A_218 : i32 to vector<64x512xi32>
    %shift_left3A_220 = arith.shli %xor3A_216, %shift_left3A_219 : vector<64x512xi32>
    %shift_right_logical3A_221 = arith.constant 26 : i32
    %shift_right_logical3A_222 = vector.broadcast %shift_right_logical3A_221 : i32 to vector<64x512xi32>
    %shift_right_logical3A_223 = arith.shrui %xor3A_216, %shift_right_logical3A_222 : vector<64x512xi32>
    %or3A_224 = arith.ori %shift_left3A_220, %shift_right_logical3A_223 : vector<64x512xi32>
    %xor3A_225 = arith.xori %add3A_217, %or3A_224 : vector<64x512xi32>
    %add3A_226 = arith.constant 466689008 : i32
    %add3A_227 = vector.broadcast %add3A_226 : i32 to vector<64x512xi32>
    %add3A_228 = arith.addi %add3A_217, %add3A_227 : vector<64x512xi32>
    %add3A_229 = arith.constant 0 : i32
    %add3A_230 = vector.broadcast %add3A_229 : i32 to vector<64x512xi32>
    %add3A_231 = arith.addi %xor3A_225, %add3A_230 : vector<64x512xi32>
    %add3A_232 = arith.constant 5 : i32
    %add3A_233 = vector.broadcast %add3A_232 : i32 to vector<64x512xi32>
    %add3A_234 = arith.addi %add3A_231, %add3A_233 : vector<64x512xi32>
    %xor3A_235 = arith.xori %add3A_228, %add3A_234 : vector<64x512xi32>
    %shift_right_logical3A_236 = arith.constant 9 : i32
    %shift_right_logical3A_237 = vector.broadcast %shift_right_logical3A_236 : i32 to vector<64x512xi32>
    %shift_right_logical3A_238 = arith.shrui %xor3A_235, %shift_right_logical3A_237 : vector<64x512xi32>
    %or3A_239 = arith.constant 1065353216 : i32
    %or3A_240 = vector.broadcast %or3A_239 : i32 to vector<64x512xi32>
    %or3A_241 = arith.ori %shift_right_logical3A_238, %or3A_240 : vector<64x512xi32>
    %bitcast_convert_type3A = tpu.bitcast %or3A_241 : vector<64x512xi32> -> vector<64x512xf32>
    %sub3A = arith.constant 1.000000e+00 : f32
    %sub3A_242 = vector.broadcast %sub3A : f32 to vector<64x512xf32>
    %sub3A_243 = arith.subf %bitcast_convert_type3A, %sub3A_242 : vector<64x512xf32>
    %sub3A_244 = arith.constant 1.000000e+00 : f32
    %sub3A_245 = arith.constant 1.17549435E-38 : f32
    %sub3A_246 = arith.subf %sub3A_244, %sub3A_245 : f32
    %mul3A_247 = vector.broadcast %sub3A_246 : f32 to vector<64x512xf32>
    %mul3A_248 = arith.mulf %sub3A_243, %mul3A_247 : vector<64x512xf32>
    %add3A_249 = arith.constant 1.17549435E-38 : f32
    %add3A_250 = vector.broadcast %add3A_249 : f32 to vector<64x512xf32>
    %add3A_251 = arith.addf %mul3A_248, %add3A_250 : vector<64x512xf32>
    %max3A = arith.constant 1.17549435E-38 : f32
    %max3A_252 = vector.broadcast %max3A : f32 to vector<64x512xf32>
    %max3A_253 = arith.maximumf %max3A_252, %add3A_251 : vector<64x512xf32>
    %log3A = math.log %max3A_253 : vector<64x512xf32>
    %neg3A = arith.constant 0.000000e+00 : f32
    %neg3A_254 = vector.broadcast %neg3A : f32 to vector<64x512xf32>
    %neg3A_255 = arith.subf %neg3A_254, %log3A : vector<64x512xf32>
    %log3A_256 = math.log %neg3A_255 : vector<64x512xf32>
    %neg3A_257 = arith.constant 0.000000e+00 : f32
    %neg3A_258 = vector.broadcast %neg3A_257 : f32 to vector<64x512xf32>
    %neg3A_259 = arith.subf %neg3A_258, %log3A_256 : vector<64x512xf32>
    %get3A = arith.constant 0 : index
    %get3A_260 = arith.constant 0 : index
    %get3A_261 = vector.load %arg1[%get3A, %get3A_260] : memref<2x512xf32, #tpu.memory_space<vmem>>, vector<1x512xf32>
    %convert_element_type3A = arith.truncf %get3A_261 : vector<1x512xf32> to vector<1x512xbf16>
    %convert_element_type3A_262 = arith.extf %convert_element_type3A : vector<1x512xbf16> to vector<1x512xf32>
    %get3A_263 = arith.constant 0 : index
    %get3A_264 = arith.constant 0 : index
    %get3A_265 = vector.load %arg2[%get3A_263, %get3A_264] : memref<64x2xf32, #tpu.memory_space<vmem>>, vector<64x1xf32>
    %convert_element_type3A_266 = arith.truncf %get3A_265 : vector<64x1xf32> to vector<64x1xbf16>
    %convert_element_type3A_267 = arith.extf %convert_element_type3A_266 : vector<64x1xbf16> to vector<64x1xf32>
    %mul3A_268 = vector.broadcast %convert_element_type3A_262 : vector<1x512xf32> to vector<64x512xf32>
    %mul3A_269 = vector.broadcast %convert_element_type3A_267 : vector<64x1xf32> to vector<64x512xf32>
    %mul3A_270 = arith.mulf %mul3A_268, %mul3A_269 : vector<64x512xf32>
    %get3A_271 = arith.constant 1 : index
    %get3A_272 = arith.constant 0 : index
    %get3A_273 = vector.load %arg1[%get3A_271, %get3A_272] : memref<2x512xf32, #tpu.memory_space<vmem>>, vector<1x512xf32>
    %convert_element_type3A_274 = arith.truncf %get3A_273 : vector<1x512xf32> to vector<1x512xbf16>
    %convert_element_type3A_275 = arith.extf %convert_element_type3A_274 : vector<1x512xbf16> to vector<1x512xf32>
    %get3A_276 = arith.constant 0 : index
    %get3A_277 = arith.constant 1 : index
    %get3A_278 = vector.load %arg2[%get3A_276, %get3A_277] : memref<64x2xf32, #tpu.memory_space<vmem>>, vector<64x1xf32>
    %convert_element_type3A_279 = arith.truncf %get3A_278 : vector<64x1xf32> to vector<64x1xbf16>
    %convert_element_type3A_280 = arith.extf %convert_element_type3A_279 : vector<64x1xbf16> to vector<64x1xf32>
    %mul3A_281 = vector.broadcast %convert_element_type3A_275 : vector<1x512xf32> to vector<64x512xf32>
    %mul3A_282 = vector.broadcast %convert_element_type3A_280 : vector<64x1xf32> to vector<64x512xf32>
    %mul3A_283 = arith.mulf %mul3A_281, %mul3A_282 : vector<64x512xf32>
    %add3A_284 = arith.addf %mul3A_270, %mul3A_283 : vector<64x512xf32>
    %add3A_285 = arith.addf %neg3A_259, %add3A_284 : vector<64x512xf32>
    %reduce_max3A = arith.constant dense<0xFF800000> : vector<512xf32>
    %reduce_max3A_286 = vector.multi_reduction <maximumf>, %add3A_285, %reduce_max3A [0] : vector<64x512xf32> to vector<512xf32>
    %broadcast_in_dim3A_287 = vector.shape_cast %reduce_max3A_286 : vector<512xf32> to vector<1x512xf32>
    %iota3A_288 = tpu.iota {dimensions = array<i32: 0>} : vector<64x512xi32>
    %eq3A = vector.broadcast %broadcast_in_dim3A_287 : vector<1x512xf32> to vector<64x512xf32>
    %eq3A_289 = arith.cmpf oeq, %add3A_285, %eq3A : vector<64x512xf32>
    %jit3A = arith.constant 64 : i32
    %broadcast_in_dim3A_290 = vector.broadcast %jit3A : i32 to vector<64x512xi32>
    %select_n3A = arith.select %eq3A_289, %iota3A_288, %broadcast_in_dim3A_290 : vector<64x512xi1>, vector<64x512xi32>
    %reduce_min3A = arith.constant dense<2147483647> : vector<512xi32>
    %reduce_min3A_291 = vector.multi_reduction <minsi>, %select_n3A, %reduce_min3A [0] : vector<64x512xi32> to vector<512xi32>
    %broadcast_in_dim3A_292 = vector.shape_cast %reduce_min3A_291 : vector<512xi32> to vector<1x512xi32>
    %swap3A = arith.constant 0 : index
    %swap3A_293 = arith.constant 0 : index
    %swap3A_294 = vector.load %arg3[%swap3A, %swap3A_293] : memref<1x512xi32, #tpu.memory_space<vmem>>, vector<1x512xi32>
    tpu.vector_store %arg3[%swap3A, %swap3A_293], %broadcast_in_dim3A_292 {strides = array<i32>} : memref<1x512xi32, #tpu.memory_space<vmem>>, vector<1x512xi32>,
    return
  }
  func.func @transform_0(%arg0: i32) -> (i32, i32) {
    %c0_i32 = arith.constant 0 : i32
    %c0_i32_0 = arith.constant 0 : i32
    return %c0_i32, %arg0 : i32, i32
  }
  func.func @transform_1(%arg0: i32) -> (i32, i32) {
    %c0_i32 = arith.constant 0 : i32
    %c0_i32_0 = arith.constant 0 : i32
    %c0_i32_1 = arith.constant 0 : i32
    return %c0_i32, %c0_i32_0 : i32, i32
  }
  func.func @transform_2(%arg0: i32) -> (i32, i32) {
    %c0_i32 = arith.constant 0 : i32
    %c0_i32_0 = arith.constant 0 : i32
    return %c0_i32, %arg0 : i32, i32
  }
}

</mosaic_0001>

<sc_bundles>
// kernel: _run.4.cloned.1.call-start
scs
__scs_entry_jumppad:
0x0: {  	(pc) =	sbr.rel $0x88, $3  }
0x1: {  	(tag) =	ssettag $0x0;
	lr =	simm.s32 $0x1  }
0x2: {  	[smem:$0x3F9E] =	sst lr;
	_ =	strace $0xD0000000  }
0x3: {  	_ = 	snop  }
0x4: {  	_ = 	snop  }
0x5: {  	_ = 	snop  }
0x6: {  	_ = 	snop  }
0x7: {  	_ = 	snop  }
__scs_overlays_trampoline_lowered:
0x8: {  	[smem:$0x3FAD] =	sst s0  }
0x9: {  	[smem:$0x3FAE] =	sst s1  }
0xa: {  	[smem:$0x3FAF] =	sst s2  }
0xb: {  	[smem:$0x3FB0] =	sst s3  }
0xc: {  	[smem:$0x3FB1] =	sst s4  }
0xd: {  	[smem:$0x3FB2] =	sst s5  }
0xe: {  	[smem:$0x3FB3] =	sst s6  }
0xf: {  	[smem:$0x3FB4] =	sst s7  }
0x10: {  	[smem:$0x3FB5] =	sst s8  }
0x11: {  	[smem:$0x3FB6] =	sst s9;
	s0 =	simm.s32 @!p0 $0x0  }
0x12: {  	s1 =	sld [smem:$0x3F9C];
	s0 =	simm.s32 @p0 $0x1  }
0x13: {  	[smem:$0x3FB7] =	sst s0;
	s0 =	simm.s32 @!p1 $0x0  }
0x14: {  	s2 =	sld [smem:$0x3F9B];
	s0 =	simm.s32 @p1 $0x1  }
0x15: {  	[smem:$0x3FB8] =	sst s0;
	s0 =	simm.s32 @!p2 $0x0  }
0x16: {  	s3 =	sld [smem:$0x3FDB];
	s0 =	simm.s32 @p2 $0x1  }
0x17: {  	s4 =	simm.s32 $0x1BF5;
	[smem:$0x3FBA] =	sst s0  }
0x18: {  	s0 =	sld [smem:$0x3F9D];
	_ =	swait.ge [sflag:s4], $0x0  }
0x19: {  	s7 =	sld [smem:$0x3F9E]  }
0x1a: {  	s8 =	sadd.s32 $0xFFFFE003, lr  }
0x1b: {  	s9 =	sadd.s32 $0xFFFFFEF7, lr;
	s5 =	simm.s32 $0xFFFFFFFF;
	p2 =	slt.u32 s8, $0xFFFFF086  }
0x1c: {  	p1 =	slt.u32 s9, $0xF7A;
	s5 =	simm.s32 @!p2 $0x0  }
0x1d: {  	s5 =	simm.s32 @p1 $0x1;
	p0 =	seq.s32 s7, s2  }
0x1e: {  	s7 =	smul.u32 @!p0 $0xF7A, s2;
	p2 =	seq.s32 @!p0 s5, $0x0  }
0x1f: {  	s9 =	smul.u32 $0xF7A, s1;
	s8 =	simm.s32 @!p0 $0x1BF5;
	p2 =	por !p2, p0  }
0x20: {  	[sflag:s8] =	ssyncset.s32 @!p0 $0xFFFFF086;
	s6 =	sadd.s32 @!p0 s3, s7;
	s7 =	simm.s32 @!p0 $0x108  }
0x21: {  	s3 =	sadd.s32 s3, s9;
	s6 =	sadd.s32 @!p0 $0x88, s6;
	s7 =	simm.s32 @p2 $0x1082  }
0x22: {  	[simem:s7], [sflag:s8] =	dma.local @!p0 [hbm:s6], $0xF7A  }
0x23: {  	s9 =	sor.u32 $0xD0000000, s2;
	s6 =	simm.s32 $0x108;
	_ =	swait.ge @!p0 [sflag:s8], $0x0  }
0x24: {  	s3 =	sadd.s32 $0x88, s3;
	s6 =	simm.s32 @!p1 $0x1082;
	[sflag:s4] =	ssyncset.s32 $0xFFFFF086  }
0x25: {  	[simem:s6], [sflag:s4] =	dma.local [hbm:s3], $0xF7A  }
0x26: {  	[smem:$0x3F9E] =	sst s1;
	(tag) =	ssettag s2;
	_ =	strace s9  }
0x27: {  	s1 =	sld [smem:$0x3FAE]  }
0x28: {  	s2 =	sld [smem:$0x3FAF]  }
0x29: {  	s4 =	sld [smem:$0x3FB1]  }
0x2a: {  	p0 =	seq.s32 s5, $0x0;
	s5 =	sld [smem:$0x3FB2]  }
0x2b: {  	s6 =	sld [smem:$0x3FB3]  }
0x2c: {  	s7 =	sld [smem:$0x3FB4]  }
0x2d: {  	s3 =	simm.s32 $0x108;
	s8 =	sld [smem:$0x3FB5]  }
0x2e: {  	s3 =	simm.s32 @!p0 $0x1082;
	s9 =	sld [smem:$0x3FB6]  }
0x2f: {  	lr =	sadd.s32 s0, s3;
	s0 =	sld [smem:$0x3FAD]  }
0x30: {  	s3 =	sld [smem:$0x3FB0]  }
0x31: {  	[smem:$0x3FB9] =	sst s10  }
0x32: {  	s10 =	sld [smem:$0x3FB7];
	_ =	sdelay $0x3  }
0x33: {  	p0 =	seq.s32 s10, $0x1;
	s10 =	sld [smem:$0x3FB9];
	_ =	sdelay $0x3  }
0x34: {  	[smem:$0x3FB9] =	sst s10  }
0x35: {  	s10 =	sld [smem:$0x3FB8];
	_ =	sdelay $0x3  }
0x36: {  	p1 =	seq.s32 s10, $0x1;
	s10 =	sld [smem:$0x3FB9];
	_ =	sdelay $0x3  }
0x37: {  	[smem:$0x3FB9] =	sst s10  }
0x38: {  	s10 =	sld [smem:$0x3FBA]  }
0x39: {  	_ = 	snop;
	(pc) =	sbr.ind lr, $3  }
0x3a: {  	_ = 	snop  }
0x3b: {  	_ = 	snop  }
0x3c: {  	p2 =	seq.s32 s10, $0x1;
	s10 =	sld [smem:$0x3FB9]  }
0x3d: {  	_ =	shalt  }
0x3e: {  	_ =	shalt  }
0x3f: {  	_ =	shalt  }
0x40: {  	_ =	shalt  }
0x41: {  	_ =	shalt  }
0x42: {  	_ =	shalt  }
0x43: {  	_ =	shalt  }
0x44: {  	_ =	shalt  }
0x45: {  	_ =	shalt  }
0x46: {  	_ =	shalt  }
0x47: {  	_ =	shalt  }
0x48: {  	_ =	shalt  }
0x49: {  	_ =	shalt  }
0x4a: {  	_ =	shalt  }
0x4b: {  	_ =	shalt  }
0x4c: {  	_ =	shalt  }
0x4d: {  	_ =	shalt  }
0x4e: {  	_ =	shalt  }
0x4f: {  	_ =	shalt  }
0x50: {  	_ =	shalt  }
0x51: {  	_ =	shalt  }
0x52: {  	_ =	shalt  }
0x53: {  	_ =	shalt  }
0x54: {  	_ =	shalt  }
0x55: {  	_ =	shalt  }
0x56: {  	_ =	shalt  }
0x57: {  	_ =	shalt  }
0x58: {  	_ =	shalt  }
0x59: {  	_ =	shalt  }
0x5a: {  	_ =	shalt  }
0x5b: {  	_ =	shalt  }
0x5c: {  	_ =	shalt  }
0x5d: {  	_ =	shalt  }
0x5e: {  	_ =	shalt  }
0x5f: {  	_ =	shalt  }
0x60: {  	_ =	shalt  }
0x61: {  	_ =	shalt  }
0x62: {  	_ =	shalt  }
0x63: {  	_ =	shalt  }
0x64: {  	_ =	shalt  }
0x65: {  	_ =	shalt  }
0x66: {  	_ =	shalt  }
0x67: {  	_ =	shalt  }
0x68: {  	_ =	shalt  }
0x69: {  	_ =	shalt  }
0x6a: {  	_ =	shalt  }
0x6b: {  	_ =	shalt  }
0x6c: {  	_ =	shalt  }
0x6d: {  	_ =	shalt  }
0x6e: {  	_ =	shalt  }
0x6f: {  	_ =	shalt  }
0x70: {  	_ =	shalt  }
0x71: {  	_ =	shalt  }
0x72: {  	_ =	shalt  }
0x73: {  	_ =	shalt  }
0x74: {  	_ =	shalt  }
0x75: {  	_ =	shalt  }
0x76: {  	_ =	shalt  }
0x77: {  	_ =	shalt  }
0x78: {  	_ =	shalt  }
0x79: {  	_ =	shalt  }
0x7a: {  	_ =	shalt  }
0x7b: {  	_ =	shalt  }
0x7c: {  	_ =	shalt  }
0x7d: {  	_ =	shalt  }
0x7e: {  	_ =	shalt  }
0x7f: {  	_ =	shalt  }
0x80: {  	_ =	shalt  }
0x81: {  	_ =	shalt  }
0x82: {  	_ =	shalt  }
0x83: {  	_ =	shalt  }
0x84: {  	_ =	shalt  }
0x85: {  	_ =	shalt  }
0x86: {  	_ =	shalt  }
0x87: {  	_ =	shalt  }
.Lfunc_end0:
.L_simem_size_0:
called_computation_lowered:
.L_overlay_start_0:
0x88: {  	s2 =	sld [smem:$0x3FD9]  }
0x89: {  	s3 =	sld [smem:$0x3FFE];
	_ =	sdelay $0x1  }
0x8a: {  	s1 =	srdreg.scid  }
0x8b: {  	s0 =	sand.u32 $0x1, s1  }
0x8c: {  	s17 =	sshll.u32 s0, $0xA;
	s2 =	sadd.s32 s3, s2  }
0x8d: {  	s2 =	sadd.s32 s2, s17  }
0x8e: {  	[smem:$0x3FC5] =	sst s2  }
0x8f: {  	_ = 	snop  }
0x90: {  	s2 =	sld [smem:$0x3FD0];
	(tm) =	ssettm $0x1  }
0x91: {  	s18 =	sld [smem:$0x3FFB];
	_ =	sdelay $0x3  }
0x92: {  	_ =	strace s18  }
0x93: {  	s3 =	sld [smem:$0x3FFC];
	_ =	sdelay $0x3  }
0x94: {  	_ =	strace s3  }
0x95: {  	s3 =	sld [smem:$0x3FFD];
	_ =	sdelay $0x3  }
0x96: {  	_ =	strace s3  }
0x97: {  	_ =	strace $0x8FFFFFFF  }
0x98: {  	s19 =	sld [smem:$0x3FDB];
	_ =	sdelay $0x1  }
0x99: {  	s4 =	simm.s32 $_scs_section_size  }
0x9a: {  	s5 =	simm.s32 $_size__tile_overlayer_lowered;
	s6 =	simm.s32 $_tile_overlayer_lowered  }
0x9b: {  	s22 =	simm.s32 $0x1BFF;
	s21 =	sshll.u32 s6, $0x1;
	s3 =	sadd.s32 s4, s19  }
0x9c: {  	s7 =	simm.s32 $0x0;
	s20 =	sshll.u32 s5, $0x1;
	s5 =	sadd.s32 s21, s3  }
0x9d: {  	[timem:s7], [sflag:s22] =	dma.local [hbm:s5], s20  }
0x9e: {  	_ =	swait.ge [sflag:s22], s20  }
0x9f: {  	s4 =	ssub.s32 $0x0, s20;
	[sflag:s22] =	ssyncset.done $0x0  }
0xa0: {  	[sflag:s22] =	ssyncadd.s32 s4;
	_ =	sdelay $0x1  }
0xa1: {  	s23 =	simm.s32 $0x1B8B  }
0xa2: {  	_ =	swait.ge [sflag:s23], $0x1  }
0xa3: {  	[sflag:s23] =	ssyncset.done $0x0  }
0xa4: {  	s25 =	simm.s32 $0x1B8E;
	s24 =	sld [smem:$0x3FFE];
	[sflag:s23] =	ssyncadd.s32 $0xFFFFFFFF  }
0xa5: {  	s26 =	simm.s32 $execute0_lowered;
	[smem:$0x3FD2] =	sst s25  }
0xa6: {  	s5 =	sshll.u32 s26, $0x1;
	_ =	strace $0x80000046;
	[dreg:$0x1] =	wrdreg $0xFFFFFFFF  }
0xa7: {  	s28 =	simm.s32 $_size_execute0_lowered;
	s3 =	sadd.s32 s3, s5;
	[dreg:$0x0] =	wrdreg $0x0  }
0xa8: {  	s5 =	sshll.u32 s28, $0x1;
	[dreg:$0x2] =	wrdreg s3  }
0xa9: {  	[dreg:$0x3] =	wrdreg s5  }
0xaa: {  	[dreg:$0x4] =	wrdreg $0xC0  }
0xab: {  	_ =	task [dreg:s7], $0x5FFFF  }
0xac: {  	[dreg:$0x1] =	wrdreg $0xFFFFFFFF  }
0xad: {  	[dreg:$0x0] =	wrdreg $0x60  }
0xae: {  	[dreg:$0x2] =	wrdreg s2  }
0xaf: {  	[dreg:$0x3] =	wrdreg s24  }
0xb0: {  	[dreg:$0x4] =	wrdreg $0x9  }
0xb1: {  	_ =	task.clear_ibuf [dreg:s7], $0x5FFFF;
	_ =	strace $0x90000046  }
0xb2: {  	s29 =	simm.s32 $0x9;
	_ =	strace $0x80000048  }
0xb3: {  	_ =	swait.ge [sflag:s29], $0x1  }
0xb4: {  	[sflag:s29] =	ssyncadd.s32 $0xFFFFFFFF  }
0xb5: {  	_ =	strace $0x90000048  }
0xb6: {  	_ =	sfence  }
0xb7: {  	s30 =	sld [smem:$0x0];
	_ =	sdelay $0x2  }
0xb8: {  	s31 =	sshll.u32 s1, $0xD;
	s1 =	sshrl.u32 s1, $0x2  }
0xb9: {  	s3 =	sand.u32 $0x4000, s31;
	s1 =	sadd.s32 s1, s30  }
0xba: {  	s0 =	sor.u32 s3, s0;
	s1 =	sshll.u32 s1, $0x11  }
0xbb: {  	s0 =	sor.u32 s1, s0  }
0xbc: {  	s0 =	sadd.s32 $0x8F2B, s0  }
0xbd: {  	[sflag:s0] =	ssyncadd.remote.s32 $0x1  }
0xbe: {  	_ =	sfence.sel $0xFFFF  }
0xbf: {  	[dreg:$0x0] =	wrdreg $0xFFFFFFFF;
	(pc) =	sbr.abs _section_cstart, $3  }
0xc0: {  	[dreg:$0x1] =	wrdreg $0xFFFFFFFF  }
0xc1: {  	_ =	task.clear_ibuf [dreg:s7], $0x2FFFF;
	_ =	strace $0x9FFFFFFF  }
0xc2: {  	(tm) =	ssettm $0x7FFFFFFF  }
0xc3: {  	_ =	shalt  }
tec
execute0_lowered:
.L_overlay_start_1:
0x0: {  	(tag) =	ssettag $0x1  }
0x1: {  	s4 =	rddreg [dreg:$0x0]  }
0x2: {  	s5 =	rddreg [dreg:$0x1]  }
0x3: {  	s0 =	rddreg [dreg:$0x2];
	s2 =	simm.s32 $0x0;
	s3 =	srdreg.scid  }
0x4: {  	s1 =	stileid.u32;
	s10 =	simm.s32 $0x0;
	s6 =	sand.u32 $0x1, s3  }
0x5: {  	[smem:$0x7FF] =	sst s2;
	s7 =	sshll.u32 s1, $0xA;
	s8 =	sshll.u32 s6, $0x9  }
0x6: {  	s3 =	sadd.s32 $0x800, s5;
	s6 =	ssub.s32 $0x2, s6;
	s7 =	sor.u32 s8, s7  }
0x7: {  	_ =	strace $0x80000047;
	s9 =	sshrl.u32 s6, $0x1;
	s8 =	sshll.u32 s7, $0x4  }
0x8: {  	s7 =	sshrl.u32 s7, $0x3;
	s6 =	ssub.s32 s6, s9;
	s9 =	simm.s32 $0x2200  }
0x9: {  	v0 =	vlaneseq.u32;
	s5 =	sadd.s32 s8, s5;
	s4 =	sadd.s32 s4, s7;
	s6 =	smax.u32 s6, $0x1  }
0xa: {  	v0 =	vmul.u32 $0x80, v0;
	s7 =	simm.s32 $0x1;
	s8 =	simm.s32 $0x200;
	s5 =	sadd.s32 $0xC00, s5  }
.LBB2_1:
0xb: {  	[tilespmem:s2], [sflag:$0x1] =	stream.linear.gather [hbm4b:s4+s2], $0x200, $0x38;
	[tilespmem:$0x12200] =	vst v63  }
0xc: {  	_ =	swait.ge [sflag:s7], $0x200  }
0xd: {  	[sflag:s7] =	ssyncset.done $0x0  }
0xe: {  	[sflag:s7] =	ssyncadd.s32 $0xFFFFFE00  }
0xf: {  	[tilespmem:s8], [sflag:$0x1] =	stream.linear.gather [hbm4b:s3+s2], $0x2000, $0x38;
	[tilespmem:$0x12200] =	vst v63  }
0x10: {  	_ =	swait.ge [sflag:s7], $0x2000  }
0x11: {  	[sflag:s7] =	ssyncset.done $0x0  }
0x12: {  	[sflag:s7] =	ssyncadd.s32 $0xFFFFE000  }
0x13: {  	s12 =	simm.s32 $0x10;
	s11 =	simm.s32 $0x0;
	s13 =	simm.s32 $0x0;
	v1 =	vld [tilespmem:s2+$0x0]  }
.LBB2_2:
0x14: {  	p0 =	sne.s32 s12, $0x1F0;
	_ =	sdelay $0x3  }
0x15: {  	v1 =	vshll.u32 v1, $0x7  }
0x16: {  	v2 =	vor.u32 $0x1, v1;
	_ =	sdelay $0x2  }
0x17: {  	v3 =	vmov s11;
	s11 =	smov.u32 s12  }
0x18: {  	v3 =	vshll.u32 v3, $0x7;
	v1 =	vld.idx.msk [tilespmem:v1+s8+$0x0], $0xffff  }
0x19: {  	v3 =	vor.u32 v0, v3;
	v2 =	vld.idx.msk [tilespmem:v2+s8+$0x0], $0xffff  }
0x1a: {  	v4 =	vor.u32 $0x1, v3;
	_ =	sdelay $0x1  }
.Ltmp0:
0x1b: {  	(pc) =	sbr.rel @p0 .LBB2_2-.Ltmp0, $4  }
0x1c: {  	_ = 	snop  }
0x1d: {  	[tilespmem:v3+s9+$0x0] =	vst.idx.msk $0xffff, v1  }
0x1e: {  	s13 =	sadd.s32 $0x10, s13;
	[tilespmem:v4+s9+$0x0] =	vst.idx.msk $0xffff, v2  }
0x1f: {  	s12 =	sadd.s32 $0x10, s12;
	v1 =	vld [tilespmem:s13+$0x0]  }
0x20: {  	_ =	sdelay $0x3  }
0x21: {  	v1 =	vshll.u32 v1, $0x7  }
0x22: {  	v2 =	vor.u32 $0x1, v1;
	_ =	sdelay $0x1  }
0x23: {  	v3 =	vmov s11  }
0x24: {  	v3 =	vshll.u32 v3, $0x7  }
0x25: {  	v3 =	vor.u32 v0, v3;
	v1 =	vld.idx.msk [tilespmem:v1+s8+$0x0], $0xffff  }
0x26: {  	v4 =	vor.u32 $0x1, v3;
	v2 =	vld.idx.msk [tilespmem:v2+s8+$0x0], $0xffff;
	_ =	sdelay $0x2  }
0x27: {  	s10 =	sadd.s32 $0x1, s10  }
0x28: {  	p0 =	sne.s32 s10, s6;
	[tilespmem:v3+s9+$0x0] =	vst.idx.msk $0xffff, v1  }
.Ltmp1:
0x29: {  	[tilespmem:v4+s9+$0x0] =	vst.idx.msk $0xffff, v2;
	(pc) =	sbr.rel @p0 .LBB2_1-.Ltmp1, $4  }
0x2a: {  	[hbm4b:s5+s2] =	stream.linear.scatter [tilespmem:s9], [sflag:$0x1], $0x10000, $0x38;
	[tilespmem:$0x12200] =	vst v63  }
0x2b: {  	_ =	swait.ge [sflag:s7], $0x10000  }
0x2c: {  	[sflag:s7] =	ssyncset.done $0x0  }
0x2d: {  	[sflag:s7] =	ssyncadd.s32 $0xFFFF0000  }
0x2e: {  	_ =	sfence.sel $0x180000  }
0x2f: {  	[bflag:$0x0] =	sbarrier.arrive $0xFFFF  }
0x30: {  	p0 =	sne.s32 s1, $0x0;
	_ =	strace $0x90000047  }
0x31: {  	s0 =	sadd.s32 @!p0 $0x100000, s0;
	[bflag:$0x2] =	sbarrier.arrive $0xFFFF  }
0x32: {  	[sflag:s0] =	ssyncadd.tile.s32 @!p0 $0x1;
	_ =	shalt  }
.Lfunc_end2:
_tile_overlayer_lowered:
.L_overlay_start_2:
0x33: {  	(tag) =	ssettag $0x2  }
0x34: {  	s0 =	rddreg [dreg:$0x0];
	s2 =	stileid.u32  }
0x35: {  	s1 =	rddreg [dreg:$0x1];
	p0 =	sne.s32 s2, $0x0  }
0x36: {  	s3 =	rddreg [dreg:$0x2];
	[bflag:$0x3] =	sbarrier.arrive $0xFFFF;
	s2 =	simm.s32 @!p0 $0x1C01  }
0x37: {  	[timem:s3], [sflag:s2] =	dma.local @!p0 [hbm:s0], s1  }
0x38: {  	s0 =	simm.s32 @!p0 $0x1  }
0x39: {  	_ =	swait.ge @!p0 [sflag:s0], s1  }
0x3a: {  	s1 =	ssub.s32 @!p0 $0x0, s1;
	[sflag:s0] =	ssyncset.done @!p0 $0x0  }
0x3b: {  	[sflag:s0] =	ssyncadd.s32 @!p0 s1  }
0x3c: {  	[bflag:$0x3] =	sbarrier.arrive $0xFFFF  }
0x3d: {  	_ =	shalt  }

</sc_bundles>
